<compile_context>
chip_gen: v7x
topology: tpu7x:2x2x1
jax: 0.10.2.dev20260603
libtpu: 0.0.44.dev20260713+nightly
codegen_flags: <defaults>
</compile_context>

<pallas_src>
import functools

import jax
import jax.numpy as jnp
from jax import lax
from jax.experimental import pallas as pl
from jax.experimental.pallas import tpu as pltpu
from jax.experimental.pallas import tpu_sc as plsc

_NC = 2
_NS = 16
_NW = _NC * _NS
_L = 16


def _pad_lanes(n):
    return (n + 127) // 128 * 128


def _degree_kernel(n, epw):
    nv = epw // _L
    npad = _pad_lanes(n)
    mesh = plsc.VectorSubcoreMesh(core_axis_name="c", subcore_axis_name="s")

    @functools.partial(
        pl.kernel,
        mesh=mesh,
        out_type=jax.ShapeDtypeStruct((_NW * npad,), jnp.float32),
        scratch_types=[
            pltpu.VMEM((epw,), jnp.int32),
            pltpu.VMEM((npad,), jnp.float32),
        ],
        compiler_params=pltpu.CompilerParams(needs_layout_passes=False),
    )
    def deg_k(col_hbm, out_hbm, col_v, hist_v):
        wid = lax.axis_index("s") * _NC + lax.axis_index("c")
        pltpu.sync_copy(col_hbm.at[pl.ds(wid * epw, epw)], col_v)

        zeros = jnp.zeros((_L,), jnp.float32)

        def _zero(i, carry):
            hist_v[pl.ds(i * _L, _L)] = zeros
            return carry

        lax.fori_loop(0, npad // _L, _zero, None)

        ones = jnp.ones((_L,), jnp.float32)

        def _acc(i, carry):
            idx = col_v[pl.ds(i * _L, _L)]
            plsc.addupdate_scatter(hist_v, [idx], ones)
            return carry

        lax.fori_loop(0, nv, _acc, None)
        pltpu.sync_copy(hist_v, out_hbm.at[pl.ds(wid * npad, npad)])

    return deg_k


def _tables_kernel(n):
    npad = _pad_lanes(n)

    def body(h_ref, x_ref, w_ref, b_ref, ta_ref, tb_ref, tc_ref):
        deg = h_ref[pl.ds(0, npad)]
        for k in range(1, _NW):
            deg = deg + h_ref[pl.ds(k * npad, npad)]
        dis = lax.rsqrt(deg[:n])
        pq = lax.dot_general(
            w_ref[...], x_ref[...],
            (((1,), (1,)), ((), ())),
            preferred_element_type=jnp.float32,
        )
        pq = jnp.maximum(pq + b_ref[...], 0.0)
        p = pq[0]
        q = pq[1]
        ta_ref[...] = dis
        tb_ref[...] = dis * p
        tc_ref[...] = q

    return pl.pallas_call(
        body,
        out_shape=[
            jax.ShapeDtypeStruct((n,), jnp.float32),
            jax.ShapeDtypeStruct((n,), jnp.float32),
            jax.ShapeDtypeStruct((n,), jnp.float32),
        ],
    )


def _edge_kernel(e, n, epw):
    nv = epw // _L
    mesh = plsc.VectorSubcoreMesh(core_axis_name="c", subcore_axis_name="s")

    @functools.partial(
        pl.kernel,
        mesh=mesh,
        out_type=jax.ShapeDtypeStruct((e,), jnp.float32),
        scratch_types=[
            pltpu.VMEM((epw,), jnp.int32),
            pltpu.VMEM((epw,), jnp.int32),
            pltpu.VMEM((epw,), jnp.float32),
            pltpu.VMEM((epw,), jnp.float32),
            pltpu.VMEM((n,), jnp.float32),
            pltpu.VMEM((n,), jnp.float32),
            pltpu.VMEM((n,), jnp.float32),
        ],
        compiler_params=pltpu.CompilerParams(needs_layout_passes=False),
    )
    def edge_k(row_hbm, col_hbm, ea_hbm, ta_hbm, tb_hbm, tc_hbm, out_hbm,
               row_v, col_v, ea_v, out_v, ta_v, tb_v, tc_v):
        wid = lax.axis_index("s") * _NC + lax.axis_index("c")
        base = wid * epw
        pltpu.sync_copy(ta_hbm, ta_v)
        pltpu.sync_copy(tb_hbm, tb_v)
        pltpu.sync_copy(tc_hbm, tc_v)
        pltpu.sync_copy(row_hbm.at[pl.ds(base, epw)], row_v)
        pltpu.sync_copy(col_hbm.at[pl.ds(base, epw)], col_v)
        pltpu.sync_copy(ea_hbm.at[pl.ds(base, epw)], ea_v)

        def _step(i, carry):
            sl = pl.ds(i * _L, _L)
            ir = row_v[sl]
            ic = col_v[sl]
            av = plsc.load_gather(ta_v, [ir])
            bv = plsc.load_gather(tb_v, [ic])
            cv = plsc.load_gather(tc_v, [ir])
            ev = ea_v[sl]
            out_v[sl] = ev * (av * bv) + ev * cv
            return carry

        lax.fori_loop(0, nv, _step, None)
        pltpu.sync_copy(out_v, out_hbm.at[pl.ds(base, epw)])

    return edge_k


def kernel(x, edge_index, edge_attr, p_w, p_b, q_w, q_b):
    n, _ = x.shape
    e = edge_attr.shape[0]
    epw = e // _NW
    assert e == epw * _NW and epw % _L == 0 and epw % 8 == 0

    row = edge_index[0].astype(jnp.int32)
    col = edge_index[1].astype(jnp.int32)
    pqw = jnp.concatenate([p_w, q_w], axis=0)
    pqb = jnp.concatenate([p_b, q_b], axis=0).reshape(2, 1)

    hists = _degree_kernel(n, epw)(col)
    ta, tb, tc = _tables_kernel(n)(hists, x, pqw, pqb)
    out = _edge_kernel(e, n, epw)(row, col, edge_attr, ta, tb, tc)
    return (edge_index, out)

# --- scband reference (transcript-rebuilt; emitter-appended) ---
"""Pipeline reference for scband-edge-attention-25744033972452 (READ-ONLY COPY).

The authoritative reference and input builder live on the scoring server;
editing this copy changes nothing except your own understanding.
"""

import jax, jax.numpy as jnp
import numpy as np

N = 10000
E = 320000
D = 128

def setup_inputs(seed: int = 0) -> dict:
    key = jax.random.key(seed)
    k1, k2, k3, k4, k5, k6, k7 = jax.random.split(key, 7)
    x = jax.random.normal(k1, (N, D), dtype=jnp.float32)
    edge_index = jax.random.randint(k2, (2, E), 0, N).astype(jnp.int64)
    edge_attr = jax.random.uniform(k3, (E,), dtype=jnp.float32)
    s = 1.0 / np.sqrt(D)
    p_w = jax.random.normal(k4, (1, D), dtype=jnp.float32) * s
    p_b = jax.random.normal(k5, (1,), dtype=jnp.float32) * s
    q_w = jax.random.normal(k6, (1, D), dtype=jnp.float32) * s
    q_b = jax.random.normal(k7, (1,), dtype=jnp.float32) * s
    return {"x": x, "edge_index": edge_index, "edge_attr": edge_attr,
            "p_w": p_w, "p_b": p_b, "q_w": q_w, "q_b": q_b}

def reference(x, edge_index, edge_attr, p_w, p_b, q_w, q_b):
    n = x.shape[0]
    row = edge_index[0]
    col = edge_index[1]
    # degree(col, N): scatter-add of ones onto destination nodes
    deg = jax.ops.segment_sum(jnp.ones((edge_index.shape[1],), dtype=x.dtype), col, num_segments=n)
    deg_inv_sqrt = jnp.power(deg, -0.5)
    # symmetric normalization of edge values (gathers on row/col)
    edge_attr_t = deg_inv_sqrt[row] * edge_attr * deg_inv_sqrt[col]
    # p/q projections to scalar per node; dropout is identity in eval mode
    p_val = jax.nn.relu(x @ p_w.T + p_b).reshape(-1)
    q_val = jax.nn.relu(x @ q_w.T + q_b).reshape(-1)
    # spspmm(A_norm, diag(p)): value at edge (r,c) = edge_attr_t * p_val[c]
    # spspmm(diag(q), A):      value at edge (r,c) = q_val[r] * edge_attr
    p_adj_mat_val = edge_attr_t * jnp.take(p_val, col)
    q_adj_mat_val = jnp.take(q_val, row) * edge_attr
    return (edge_index, p_adj_mat_val + q_adj_mat_val)

if __name__ == "__main__":
    import jax
    _d = setup_inputs()
    print(jax.jit(kernel)(*tuple(_d.values())))

</pallas_src>

<mosaic_0001>
#map = affine_map<(d0, d1) -> (0)>
module attributes {stable_mosaic.version = 14 : i64} {
  func.func @deg_k(%arg0: i32, %arg1: i32, %arg2: memref<320000xi32, #tpu.memory_space<hbm>>, %arg3: memref<323584xf32, #tpu.memory_space<hbm>>, %arg4: memref<10000xi32, #tpu.memory_space<vmem>>, %arg5: memref<10112xf32, #tpu.memory_space<vmem>>) attributes {dimension_semantics = [#tpu.dimension_semantics<core_parallel>, #tpu.dimension_semantics<subcore_parallel>], iteration_bounds = array<i64: 2, 16>, scalar_prefetch = 0 : i64, scratch_operands = 2 : i64, tpu.core_type = #tpu.core_type<sc_vector_subcore>, window_params = [{transform_indices = #map}, {transform_indices = #map}]} {
    %mul3A = arith.constant 2 : i32
    %mul3A_0 = arith.muli %arg1, %mul3A : i32
    %add3A = arith.addi %mul3A_0, %arg0 : i32
    %mul3A_1 = arith.constant 10000 : i32
    %mul3A_2 = arith.muli %add3A, %mul3A_1 : i32
    "tpu.region"() ({
      %run_scoped3A = tpu.sem_alloc : memref<!tpu.dma_semaphore, #tpu.memory_space<semaphore_mem>>
      %dma_start3A = tpu.memref_slice %arg2[%mul3A_2] : memref<320000xi32, #tpu.memory_space<hbm>> -> memref<10000xi32, #tpu.memory_space<hbm>>
      %dma_start3A_17 = tpu.memref_slice %arg2[%mul3A_2] : memref<320000xi32, #tpu.memory_space<hbm>> -> memref<10000xi32, #tpu.memory_space<hbm>>
      tpu.enqueue_dma source(%dma_start3A_17 : memref<10000xi32, #tpu.memory_space<hbm>>) target(%arg4 : memref<10000xi32, #tpu.memory_space<vmem>>) target_semaphore(%run_scoped3A : memref<!tpu.dma_semaphore, #tpu.memory_space<semaphore_mem>>)
      %dma_wait3A = tpu.memref_slice %arg2[%mul3A_2] : memref<320000xi32, #tpu.memory_space<hbm>> -> memref<10000xi32, #tpu.memory_space<hbm>>
      %dma_wait3A_18 = tpu.memref_slice %arg2[%mul3A_2] : memref<320000xi32, #tpu.memory_space<hbm>> -> memref<10000xi32, #tpu.memory_space<hbm>>
      tpu.wait_dma2 semaphore(%run_scoped3A : memref<!tpu.dma_semaphore, #tpu.memory_space<semaphore_mem>>) src(%dma_wait3A_18 : memref<10000xi32, #tpu.memory_space<hbm>>) dst(%arg4 : memref<10000xi32, #tpu.memory_space<vmem>>)
      tpu.yield
    }) : () -> ()
    %broadcast_in_dim3A = arith.constant 0.000000e+00 : f32
    %broadcast_in_dim3A_3 = vector.broadcast %broadcast_in_dim3A : f32 to vector<16xf32>
    %scan3A = arith.constant 0 : i32
    %scan3A_4 = arith.constant 632 : i32
    %scan3A_5 = arith.addi %scan3A, %scan3A_4 : i32
    %scan3A_6 = arith.constant 1 : i32
    scf.for %scan3A_17 = %scan3A to %scan3A_5 step %scan3A_6  : i32 {
      %mul3A_18 = arith.constant 16 : i32
      %mul3A_19 = arith.muli %scan3A_17, %mul3A_18 : i32
      %swap3A = arith.index_cast %mul3A_19 : i32 to index
      %swap3A_20 = tpu.vector_load %arg5[%swap3A] {strides = array<i32>} : memref<10112xf32, #tpu.memory_space<vmem>>, vector<16xf32>,
      tpu.vector_store %arg5[%swap3A], %broadcast_in_dim3A_3 {strides = array<i32>} : memref<10112xf32, #tpu.memory_space<vmem>>, vector<16xf32>,
    }
    %scan3A_7 = arith.constant 632 : i32
    %broadcast_in_dim3A_8 = arith.constant 1.000000e+00 : f32
    %broadcast_in_dim3A_9 = vector.broadcast %broadcast_in_dim3A_8 : f32 to vector<16xf32>
    %scan3A_10 = arith.constant 0 : i32
    %scan3A_11 = arith.constant 625 : i32
    %scan3A_12 = arith.addi %scan3A_10, %scan3A_11 : i32
    %scan3A_13 = arith.constant 1 : i32
    scf.for %scan3A_17 = %scan3A_10 to %scan3A_12 step %scan3A_13  : i32 {
      %mul3A_18 = arith.constant 16 : i32
      %mul3A_19 = arith.muli %scan3A_17, %mul3A_18 : i32
      %get3A = arith.index_cast %mul3A_19 : i32 to index
      %get3A_20 = tpu.vector_load %arg4[%get3A] {strides = array<i32>} : memref<10000xi32, #tpu.memory_space<vmem>>, vector<16xi32>,
      tpu.vector_store_idx %arg5[%get3A_20], %broadcast_in_dim3A_9 {add = true} : memref<10112xf32, #tpu.memory_space<vmem>>[vector<16xi32>], vector<16xf32>,
    }
    %scan3A_14 = arith.constant 625 : i32
    %mul3A_15 = arith.constant 10112 : i32
    %mul3A_16 = arith.muli %add3A, %mul3A_15 : i32
    "tpu.region"() ({
      %run_scoped3A = tpu.sem_alloc : memref<!tpu.dma_semaphore, #tpu.memory_space<semaphore_mem>>
      %dma_start3A = tpu.memref_slice %arg3[%mul3A_16] : memref<323584xf32, #tpu.memory_space<hbm>> -> memref<10112xf32, #tpu.memory_space<hbm>>
      %dma_start3A_17 = tpu.memref_slice %arg3[%mul3A_16] : memref<323584xf32, #tpu.memory_space<hbm>> -> memref<10112xf32, #tpu.memory_space<hbm>>
      tpu.enqueue_dma source(%arg5 : memref<10112xf32, #tpu.memory_space<vmem>>) target(%dma_start3A_17 : memref<10112xf32, #tpu.memory_space<hbm>>) target_semaphore(%run_scoped3A : memref<!tpu.dma_semaphore, #tpu.memory_space<semaphore_mem>>)
      %dma_wait3A = tpu.memref_slice %arg3[%mul3A_16] : memref<323584xf32, #tpu.memory_space<hbm>> -> memref<10112xf32, #tpu.memory_space<hbm>>
      %dma_wait3A_18 = tpu.memref_slice %arg3[%mul3A_16] : memref<323584xf32, #tpu.memory_space<hbm>> -> memref<10112xf32, #tpu.memory_space<hbm>>
      tpu.wait_dma2 semaphore(%run_scoped3A : memref<!tpu.dma_semaphore, #tpu.memory_space<semaphore_mem>>) src(%arg5 : memref<10112xf32, #tpu.memory_space<vmem>>) dst(%dma_wait3A_18 : memref<10112xf32, #tpu.memory_space<hbm>>)
      tpu.yield
    }) : () -> ()
    return
  }
}

#map = affine_map<(d0, d1) -> (0)>
module attributes {stable_mosaic.version = 14 : i64} {
  func.func @edge_k(%arg0: i32, %arg1: i32, %arg2: memref<320000xi32, #tpu.memory_space<hbm>>, %arg3: memref<320000xi32, #tpu.memory_space<hbm>>, %arg4: memref<320000xf32, #tpu.memory_space<hbm>>, %arg5: memref<10000xf32, #tpu.memory_space<hbm>>, %arg6: memref<10000xf32, #tpu.memory_space<hbm>>, %arg7: memref<10000xf32, #tpu.memory_space<hbm>>, %arg8: memref<320000xf32, #tpu.memory_space<hbm>>, %arg9: memref<10000xi32, #tpu.memory_space<vmem>>, %arg10: memref<10000xi32, #tpu.memory_space<vmem>>, %arg11: memref<10000xf32, #tpu.memory_space<vmem>>, %arg12: memref<10000xf32, #tpu.memory_space<vmem>>, %arg13: memref<10000xf32, #tpu.memory_space<vmem>>, %arg14: memref<10000xf32, #tpu.memory_space<vmem>>, %arg15: memref<10000xf32, #tpu.memory_space<vmem>>) attributes {dimension_semantics = [#tpu.dimension_semantics<core_parallel>, #tpu.dimension_semantics<subcore_parallel>], iteration_bounds = array<i64: 2, 16>, scalar_prefetch = 0 : i64, scratch_operands = 7 : i64, tpu.core_type = #tpu.core_type<sc_vector_subcore>, window_params = [{transform_indices = #map}, {transform_indices = #map}, {transform_indices = #map}, {transform_indices = #map}, {transform_indices = #map}, {transform_indices = #map}, {transform_indices = #map}]} {
    %mul3A = arith.constant 2 : i32
    %mul3A_0 = arith.muli %arg1, %mul3A : i32
    %add3A = arith.addi %mul3A_0, %arg0 : i32
    %mul3A_1 = arith.constant 10000 : i32
    %mul3A_2 = arith.muli %add3A, %mul3A_1 : i32
    "tpu.region"() ({
      %run_scoped3A = tpu.sem_alloc : memref<!tpu.dma_semaphore, #tpu.memory_space<semaphore_mem>>
      tpu.enqueue_dma source(%arg5 : memref<10000xf32, #tpu.memory_space<hbm>>) target(%arg13 : memref<10000xf32, #tpu.memory_space<vmem>>) target_semaphore(%run_scoped3A : memref<!tpu.dma_semaphore, #tpu.memory_space<semaphore_mem>>)
      tpu.wait_dma2 semaphore(%run_scoped3A : memref<!tpu.dma_semaphore, #tpu.memory_space<semaphore_mem>>) src(%arg5 : memref<10000xf32, #tpu.memory_space<hbm>>) dst(%arg13 : memref<10000xf32, #tpu.memory_space<vmem>>)
      tpu.yield
    }) : () -> ()
    "tpu.region"() ({
      %run_scoped3A = tpu.sem_alloc : memref<!tpu.dma_semaphore, #tpu.memory_space<semaphore_mem>>
      tpu.enqueue_dma source(%arg6 : memref<10000xf32, #tpu.memory_space<hbm>>) target(%arg14 : memref<10000xf32, #tpu.memory_space<vmem>>) target_semaphore(%run_scoped3A : memref<!tpu.dma_semaphore, #tpu.memory_space<semaphore_mem>>)
      tpu.wait_dma2 semaphore(%run_scoped3A : memref<!tpu.dma_semaphore, #tpu.memory_space<semaphore_mem>>) src(%arg6 : memref<10000xf32, #tpu.memory_space<hbm>>) dst(%arg14 : memref<10000xf32, #tpu.memory_space<vmem>>)
      tpu.yield
    }) : () -> ()
    "tpu.region"() ({
      %run_scoped3A = tpu.sem_alloc : memref<!tpu.dma_semaphore, #tpu.memory_space<semaphore_mem>>
      tpu.enqueue_dma source(%arg7 : memref<10000xf32, #tpu.memory_space<hbm>>) target(%arg15 : memref<10000xf32, #tpu.memory_space<vmem>>) target_semaphore(%run_scoped3A : memref<!tpu.dma_semaphore, #tpu.memory_space<semaphore_mem>>)
      tpu.wait_dma2 semaphore(%run_scoped3A : memref<!tpu.dma_semaphore, #tpu.memory_space<semaphore_mem>>) src(%arg7 : memref<10000xf32, #tpu.memory_space<hbm>>) dst(%arg15 : memref<10000xf32, #tpu.memory_space<vmem>>)
      tpu.yield
    }) : () -> ()
    "tpu.region"() ({
      %run_scoped3A = tpu.sem_alloc : memref<!tpu.dma_semaphore, #tpu.memory_space<semaphore_mem>>
      %dma_start3A = tpu.memref_slice %arg2[%mul3A_2] : memref<320000xi32, #tpu.memory_space<hbm>> -> memref<10000xi32, #tpu.memory_space<hbm>>
      %dma_start3A_7 = tpu.memref_slice %arg2[%mul3A_2] : memref<320000xi32, #tpu.memory_space<hbm>> -> memref<10000xi32, #tpu.memory_space<hbm>>
      tpu.enqueue_dma source(%dma_start3A_7 : memref<10000xi32, #tpu.memory_space<hbm>>) target(%arg9 : memref<10000xi32, #tpu.memory_space<vmem>>) target_semaphore(%run_scoped3A : memref<!tpu.dma_semaphore, #tpu.memory_space<semaphore_mem>>)
      %dma_wait3A = tpu.memref_slice %arg2[%mul3A_2] : memref<320000xi32, #tpu.memory_space<hbm>> -> memref<10000xi32, #tpu.memory_space<hbm>>
      %dma_wait3A_8 = tpu.memref_slice %arg2[%mul3A_2] : memref<320000xi32, #tpu.memory_space<hbm>> -> memref<10000xi32, #tpu.memory_space<hbm>>
      tpu.wait_dma2 semaphore(%run_scoped3A : memref<!tpu.dma_semaphore, #tpu.memory_space<semaphore_mem>>) src(%dma_wait3A_8 : memref<10000xi32, #tpu.memory_space<hbm>>) dst(%arg9 : memref<10000xi32, #tpu.memory_space<vmem>>)
      tpu.yield
    }) : () -> ()
    "tpu.region"() ({
      %run_scoped3A = tpu.sem_alloc : memref<!tpu.dma_semaphore, #tpu.memory_space<semaphore_mem>>
      %dma_start3A = tpu.memref_slice %arg3[%mul3A_2] : memref<320000xi32, #tpu.memory_space<hbm>> -> memref<10000xi32, #tpu.memory_space<hbm>>
      %dma_start3A_7 = tpu.memref_slice %arg3[%mul3A_2] : memref<320000xi32, #tpu.memory_space<hbm>> -> memref<10000xi32, #tpu.memory_space<hbm>>
      tpu.enqueue_dma source(%dma_start3A_7 : memref<10000xi32, #tpu.memory_space<hbm>>) target(%arg10 : memref<10000xi32, #tpu.memory_space<vmem>>) target_semaphore(%run_scoped3A : memref<!tpu.dma_semaphore, #tpu.memory_space<semaphore_mem>>)
      %dma_wait3A = tpu.memref_slice %arg3[%mul3A_2] : memref<320000xi32, #tpu.memory_space<hbm>> -> memref<10000xi32, #tpu.memory_space<hbm>>
      %dma_wait3A_8 = tpu.memref_slice %arg3[%mul3A_2] : memref<320000xi32, #tpu.memory_space<hbm>> -> memref<10000xi32, #tpu.memory_space<hbm>>
      tpu.wait_dma2 semaphore(%run_scoped3A : memref<!tpu.dma_semaphore, #tpu.memory_space<semaphore_mem>>) src(%dma_wait3A_8 : memref<10000xi32, #tpu.memory_space<hbm>>) dst(%arg10 : memref<10000xi32, #tpu.memory_space<vmem>>)
      tpu.yield
    }) : () -> ()
    "tpu.region"() ({
      %run_scoped3A = tpu.sem_alloc : memref<!tpu.dma_semaphore, #tpu.memory_space<semaphore_mem>>
      %dma_start3A = tpu.memref_slice %arg4[%mul3A_2] : memref<320000xf32, #tpu.memory_space<hbm>> -> memref<10000xf32, #tpu.memory_space<hbm>>
      %dma_start3A_7 = tpu.memref_slice %arg4[%mul3A_2] : memref<320000xf32, #tpu.memory_space<hbm>> -> memref<10000xf32, #tpu.memory_space<hbm>>
      tpu.enqueue_dma source(%dma_start3A_7 : memref<10000xf32, #tpu.memory_space<hbm>>) target(%arg11 : memref<10000xf32, #tpu.memory_space<vmem>>) target_semaphore(%run_scoped3A : memref<!tpu.dma_semaphore, #tpu.memory_space<semaphore_mem>>)
      %dma_wait3A = tpu.memref_slice %arg4[%mul3A_2] : memref<320000xf32, #tpu.memory_space<hbm>> -> memref<10000xf32, #tpu.memory_space<hbm>>
      %dma_wait3A_8 = tpu.memref_slice %arg4[%mul3A_2] : memref<320000xf32, #tpu.memory_space<hbm>> -> memref<10000xf32, #tpu.memory_space<hbm>>
      tpu.wait_dma2 semaphore(%run_scoped3A : memref<!tpu.dma_semaphore, #tpu.memory_space<semaphore_mem>>) src(%dma_wait3A_8 : memref<10000xf32, #tpu.memory_space<hbm>>) dst(%arg11 : memref<10000xf32, #tpu.memory_space<vmem>>)
      tpu.yield
    }) : () -> ()
    %scan3A = arith.constant 0 : i32
    %scan3A_3 = arith.constant 625 : i32
    %scan3A_4 = arith.addi %scan3A, %scan3A_3 : i32
    %scan3A_5 = arith.constant 1 : i32
    scf.for %scan3A_7 = %scan3A to %scan3A_4 step %scan3A_5  : i32 {
      %mul3A_8 = arith.constant 16 : i32
      %mul3A_9 = arith.muli %scan3A_7, %mul3A_8 : i32
      %get3A = arith.index_cast %mul3A_9 : i32 to index
      %get3A_10 = tpu.vector_load %arg9[%get3A] {strides = array<i32>} : memref<10000xi32, #tpu.memory_space<vmem>>, vector<16xi32>,
      %get3A_11 = arith.index_cast %mul3A_9 : i32 to index
      %get3A_12 = tpu.vector_load %arg10[%get3A_11] {strides = array<i32>} : memref<10000xi32, #tpu.memory_space<vmem>>, vector<16xi32>,
      %gather3A = tpu.vector_load_idx %arg13[%get3A_10] : memref<10000xf32, #tpu.memory_space<vmem>>[vector<16xi32>], vector<16xf32>,
      %gather3A_13 = tpu.vector_load_idx %arg14[%get3A_12] : memref<10000xf32, #tpu.memory_space<vmem>>[vector<16xi32>], vector<16xf32>,
      %gather3A_14 = tpu.vector_load_idx %arg15[%get3A_10] : memref<10000xf32, #tpu.memory_space<vmem>>[vector<16xi32>], vector<16xf32>,
      %get3A_15 = arith.index_cast %mul3A_9 : i32 to index
      %get3A_16 = tpu.vector_load %arg11[%get3A_15] {strides = array<i32>} : memref<10000xf32, #tpu.memory_space<vmem>>, vector<16xf32>,
      %mul3A_17 = arith.mulf %gather3A, %gather3A_13 : vector<16xf32>
      %mul3A_18 = arith.mulf %get3A_16, %mul3A_17 : vector<16xf32>
      %mul3A_19 = arith.mulf %get3A_16, %gather3A_14 : vector<16xf32>
      %add3A_20 = arith.addf %mul3A_18, %mul3A_19 : vector<16xf32>
      %swap3A = arith.index_cast %mul3A_9 : i32 to index
      %swap3A_21 = tpu.vector_load %arg12[%swap3A] {strides = array<i32>} : memref<10000xf32, #tpu.memory_space<vmem>>, vector<16xf32>,
      tpu.vector_store %arg12[%swap3A], %add3A_20 {strides = array<i32>} : memref<10000xf32, #tpu.memory_space<vmem>>, vector<16xf32>,
    }
    %scan3A_6 = arith.constant 625 : i32
    "tpu.region"() ({
      %run_scoped3A = tpu.sem_alloc : memref<!tpu.dma_semaphore, #tpu.memory_space<semaphore_mem>>
      %dma_start3A = tpu.memref_slice %arg8[%mul3A_2] : memref<320000xf32, #tpu.memory_space<hbm>> -> memref<10000xf32, #tpu.memory_space<hbm>>
      %dma_start3A_7 = tpu.memref_slice %arg8[%mul3A_2] : memref<320000xf32, #tpu.memory_space<hbm>> -> memref<10000xf32, #tpu.memory_space<hbm>>
      tpu.enqueue_dma source(%arg12 : memref<10000xf32, #tpu.memory_space<vmem>>) target(%dma_start3A_7 : memref<10000xf32, #tpu.memory_space<hbm>>) target_semaphore(%run_scoped3A : memref<!tpu.dma_semaphore, #tpu.memory_space<semaphore_mem>>)
      %dma_wait3A = tpu.memref_slice %arg8[%mul3A_2] : memref<320000xf32, #tpu.memory_space<hbm>> -> memref<10000xf32, #tpu.memory_space<hbm>>
      %dma_wait3A_8 = tpu.memref_slice %arg8[%mul3A_2] : memref<320000xf32, #tpu.memory_space<hbm>> -> memref<10000xf32, #tpu.memory_space<hbm>>
      tpu.wait_dma2 semaphore(%run_scoped3A : memref<!tpu.dma_semaphore, #tpu.memory_space<semaphore_mem>>) src(%arg12 : memref<10000xf32, #tpu.memory_space<vmem>>) dst(%dma_wait3A_8 : memref<10000xf32, #tpu.memory_space<hbm>>)
      tpu.yield
    }) : () -> ()
    return
  }
}

module attributes {stable_mosaic.version = 14 : i64} {
  func.func @body(%arg0: memref<323584xf32, #tpu.memory_space<vmem>>, %arg1: memref<10000x128xf32, #tpu.memory_space<vmem>>, %arg2: memref<2x128xf32, #tpu.memory_space<vmem>>, %arg3: memref<2x1xf32, #tpu.memory_space<vmem>>, %arg4: memref<10000xf32, #tpu.memory_space<vmem>>, %arg5: memref<10000xf32, #tpu.memory_space<vmem>>, %arg6: memref<10000xf32, #tpu.memory_space<vmem>>) attributes {dimension_semantics = [], scalar_prefetch = 0 : i64, scratch_operands = 0 : i64, tpu.core_type = #tpu.core_type<tc>} {
    %get3A = arith.constant 0 : index
    %get3A_0 = vector.load %arg0[%get3A] : memref<323584xf32, #tpu.memory_space<vmem>>, vector<10112xf32>
    %get3A_1 = arith.constant 10112 : index
    %get3A_2 = vector.load %arg0[%get3A_1] : memref<323584xf32, #tpu.memory_space<vmem>>, vector<10112xf32>
    %add3A = arith.addf %get3A_0, %get3A_2 : vector<10112xf32>
    %get3A_3 = arith.constant 20224 : index
    %get3A_4 = vector.load %arg0[%get3A_3] : memref<323584xf32, #tpu.memory_space<vmem>>, vector<10112xf32>
    %add3A_5 = arith.addf %add3A, %get3A_4 : vector<10112xf32>
    %get3A_6 = arith.constant 30336 : index
    %get3A_7 = vector.load %arg0[%get3A_6] : memref<323584xf32, #tpu.memory_space<vmem>>, vector<10112xf32>
    %add3A_8 = arith.addf %add3A_5, %get3A_7 : vector<10112xf32>
    %get3A_9 = arith.constant 40448 : index
    %get3A_10 = vector.load %arg0[%get3A_9] : memref<323584xf32, #tpu.memory_space<vmem>>, vector<10112xf32>
    %add3A_11 = arith.addf %add3A_8, %get3A_10 : vector<10112xf32>
    %get3A_12 = arith.constant 50560 : index
    %get3A_13 = vector.load %arg0[%get3A_12] : memref<323584xf32, #tpu.memory_space<vmem>>, vector<10112xf32>
    %add3A_14 = arith.addf %add3A_11, %get3A_13 : vector<10112xf32>
    %get3A_15 = arith.constant 60672 : index
    %get3A_16 = vector.load %arg0[%get3A_15] : memref<323584xf32, #tpu.memory_space<vmem>>, vector<10112xf32>
    %add3A_17 = arith.addf %add3A_14, %get3A_16 : vector<10112xf32>
    %get3A_18 = arith.constant 70784 : index
    %get3A_19 = vector.load %arg0[%get3A_18] : memref<323584xf32, #tpu.memory_space<vmem>>, vector<10112xf32>
    %add3A_20 = arith.addf %add3A_17, %get3A_19 : vector<10112xf32>
    %get3A_21 = arith.constant 80896 : index
    %get3A_22 = vector.load %arg0[%get3A_21] : memref<323584xf32, #tpu.memory_space<vmem>>, vector<10112xf32>
    %add3A_23 = arith.addf %add3A_20, %get3A_22 : vector<10112xf32>
    %get3A_24 = arith.constant 91008 : index
    %get3A_25 = vector.load %arg0[%get3A_24] : memref<323584xf32, #tpu.memory_space<vmem>>, vector<10112xf32>
    %add3A_26 = arith.addf %add3A_23, %get3A_25 : vector<10112xf32>
    %get3A_27 = arith.constant 101120 : index
    %get3A_28 = vector.load %arg0[%get3A_27] : memref<323584xf32, #tpu.memory_space<vmem>>, vector<10112xf32>
    %add3A_29 = arith.addf %add3A_26, %get3A_28 : vector<10112xf32>
    %get3A_30 = arith.constant 111232 : index
    %get3A_31 = vector.load %arg0[%get3A_30] : memref<323584xf32, #tpu.memory_space<vmem>>, vector<10112xf32>
    %add3A_32 = arith.addf %add3A_29, %get3A_31 : vector<10112xf32>
    %get3A_33 = arith.constant 121344 : index
    %get3A_34 = vector.load %arg0[%get3A_33] : memref<323584xf32, #tpu.memory_space<vmem>>, vector<10112xf32>
    %add3A_35 = arith.addf %add3A_32, %get3A_34 : vector<10112xf32>
    %get3A_36 = arith.constant 131456 : index
    %get3A_37 = vector.load %arg0[%get3A_36] : memref<323584xf32, #tpu.memory_space<vmem>>, vector<10112xf32>
    %add3A_38 = arith.addf %add3A_35, %get3A_37 : vector<10112xf32>
    %get3A_39 = arith.constant 141568 : index
    %get3A_40 = vector.load %arg0[%get3A_39] : memref<323584xf32, #tpu.memory_space<vmem>>, vector<10112xf32>
    %add3A_41 = arith.addf %add3A_38, %get3A_40 : vector<10112xf32>
    %get3A_42 = arith.constant 151680 : index
    %get3A_43 = vector.load %arg0[%get3A_42] : memref<323584xf32, #tpu.memory_space<vmem>>, vector<10112xf32>
    %add3A_44 = arith.addf %add3A_41, %get3A_43 : vector<10112xf32>
    %get3A_45 = arith.constant 161792 : index
    %get3A_46 = vector.load %arg0[%get3A_45] : memref<323584xf32, #tpu.memory_space<vmem>>, vector<10112xf32>
    %add3A_47 = arith.addf %add3A_44, %get3A_46 : vector<10112xf32>
    %get3A_48 = arith.constant 171904 : index
    %get3A_49 = vector.load %arg0[%get3A_48] : memref<323584xf32, #tpu.memory_space<vmem>>, vector<10112xf32>
    %add3A_50 = arith.addf %add3A_47, %get3A_49 : vector<10112xf32>
    %get3A_51 = arith.constant 182016 : index
    %get3A_52 = vector.load %arg0[%get3A_51] : memref<323584xf32, #tpu.memory_space<vmem>>, vector<10112xf32>
    %add3A_53 = arith.addf %add3A_50, %get3A_52 : vector<10112xf32>
    %get3A_54 = arith.constant 192128 : index
    %get3A_55 = vector.load %arg0[%get3A_54] : memref<323584xf32, #tpu.memory_space<vmem>>, vector<10112xf32>
    %add3A_56 = arith.addf %add3A_53, %get3A_55 : vector<10112xf32>
    %get3A_57 = arith.constant 202240 : index
    %get3A_58 = vector.load %arg0[%get3A_57] : memref<323584xf32, #tpu.memory_space<vmem>>, vector<10112xf32>
    %add3A_59 = arith.addf %add3A_56, %get3A_58 : vector<10112xf32>
    %get3A_60 = arith.constant 212352 : index
    %get3A_61 = vector.load %arg0[%get3A_60] : memref<323584xf32, #tpu.memory_space<vmem>>, vector<10112xf32>
    %add3A_62 = arith.addf %add3A_59, %get3A_61 : vector<10112xf32>
    %get3A_63 = arith.constant 222464 : index
    %get3A_64 = vector.load %arg0[%get3A_63] : memref<323584xf32, #tpu.memory_space<vmem>>, vector<10112xf32>
    %add3A_65 = arith.addf %add3A_62, %get3A_64 : vector<10112xf32>
    %get3A_66 = arith.constant 232576 : index
    %get3A_67 = vector.load %arg0[%get3A_66] : memref<323584xf32, #tpu.memory_space<vmem>>, vector<10112xf32>
    %add3A_68 = arith.addf %add3A_65, %get3A_67 : vector<10112xf32>
    %get3A_69 = arith.constant 242688 : index
    %get3A_70 = vector.load %arg0[%get3A_69] : memref<323584xf32, #tpu.memory_space<vmem>>, vector<10112xf32>
    %add3A_71 = arith.addf %add3A_68, %get3A_70 : vector<10112xf32>
    %get3A_72 = arith.constant 252800 : index
    %get3A_73 = vector.load %arg0[%get3A_72] : memref<323584xf32, #tpu.memory_space<vmem>>, vector<10112xf32>
    %add3A_74 = arith.addf %add3A_71, %get3A_73 : vector<10112xf32>
    %get3A_75 = arith.constant 262912 : index
    %get3A_76 = vector.load %arg0[%get3A_75] : memref<323584xf32, #tpu.memory_space<vmem>>, vector<10112xf32>
    %add3A_77 = arith.addf %add3A_74, %get3A_76 : vector<10112xf32>
    %get3A_78 = arith.constant 273024 : index
    %get3A_79 = vector.load %arg0[%get3A_78] : memref<323584xf32, #tpu.memory_space<vmem>>, vector<10112xf32>
    %add3A_80 = arith.addf %add3A_77, %get3A_79 : vector<10112xf32>
    %get3A_81 = arith.constant 283136 : index
    %get3A_82 = vector.load %arg0[%get3A_81] : memref<323584xf32, #tpu.memory_space<vmem>>, vector<10112xf32>
    %add3A_83 = arith.addf %add3A_80, %get3A_82 : vector<10112xf32>
    %get3A_84 = arith.constant 293248 : index
    %get3A_85 = vector.load %arg0[%get3A_84] : memref<323584xf32, #tpu.memory_space<vmem>>, vector<10112xf32>
    %add3A_86 = arith.addf %add3A_83, %get3A_85 : vector<10112xf32>
    %get3A_87 = arith.constant 303360 : index
    %get3A_88 = vector.load %arg0[%get3A_87] : memref<323584xf32, #tpu.memory_space<vmem>>, vector<10112xf32>
    %add3A_89 = arith.addf %add3A_86, %get3A_88 : vector<10112xf32>
    %get3A_90 = arith.constant 313472 : index
    %get3A_91 = vector.load %arg0[%get3A_90] : memref<323584xf32, #tpu.memory_space<vmem>>, vector<10112xf32>
    %add3A_92 = arith.addf %add3A_89, %get3A_91 : vector<10112xf32>
    %slice3A = vector.extract_strided_slice %add3A_92 {offsets = [0], sizes = [10000], strides = [1]} : vector<10112xf32> to vector<10000xf32>
    %rsqrt3A = math.rsqrt %slice3A : vector<10000xf32>
    %get3A_93 = arith.constant 0 : index
    %get3A_94 = arith.constant 0 : index
    %get3A_95 = vector.load %arg2[%get3A_93, %get3A_94] : memref<2x128xf32, #tpu.memory_space<vmem>>, vector<2x128xf32>
    %get3A_96 = arith.constant 0 : index
    %get3A_97 = arith.constant 0 : index
    %get3A_98 = vector.load %arg1[%get3A_96, %get3A_97] : memref<10000x128xf32, #tpu.memory_space<vmem>>, vector<10000x128xf32>
    %dot_general3A = arith.constant dense<0.000000e+00> : vector<2x10000xf32>
    %dot_general3A_99 = tpu.matmul %get3A_95, %get3A_98, %dot_general3A {dimension_numbers = #tpu.dot_dimension_numbers<[1], [1], [0], [0], [0, 0, 1, 0], [], []>, transpose_lhs_hint = false} : vector<2x128xf32>, vector<10000x128xf32>, vector<2x10000xf32> -> vector<2x10000xf32>
    %get3A_100 = arith.constant 0 : index
    %get3A_101 = arith.constant 0 : index
    %get3A_102 = vector.load %arg3[%get3A_100, %get3A_101] : memref<2x1xf32, #tpu.memory_space<vmem>>, vector<2x1xf32>
    %add3A_103 = vector.broadcast %get3A_102 : vector<2x1xf32> to vector<2x10000xf32>
    %add3A_104 = arith.addf %dot_general3A_99, %add3A_103 : vector<2x10000xf32>
    %max3A = arith.constant 0.000000e+00 : f32
    %max3A_105 = vector.broadcast %max3A : f32 to vector<2x10000xf32>
    %max3A_106 = arith.maximumf %add3A_104, %max3A_105 : vector<2x10000xf32>
    %slice3A_107 = vector.extract_strided_slice %max3A_106 {offsets = [0, 0], sizes = [1, 10000], strides = [1, 1]} : vector<2x10000xf32> to vector<1x10000xf32>
    %squeeze3A = vector.shape_cast %slice3A_107 : vector<1x10000xf32> to vector<10000xf32>
    %slice3A_108 = vector.extract_strided_slice %max3A_106 {offsets = [1, 0], sizes = [1, 10000], strides = [1, 1]} : vector<2x10000xf32> to vector<1x10000xf32>
    %squeeze3A_109 = vector.shape_cast %slice3A_108 : vector<1x10000xf32> to vector<10000xf32>
    %swap3A = arith.constant 0 : index
    %swap3A_110 = vector.load %arg4[%swap3A] : memref<10000xf32, #tpu.memory_space<vmem>>, vector<10000xf32>
    tpu.vector_store %arg4[%swap3A], %rsqrt3A {strides = array<i32>} : memref<10000xf32, #tpu.memory_space<vmem>>, vector<10000xf32>,
    %mul3A = arith.mulf %rsqrt3A, %squeeze3A : vector<10000xf32>
    %swap3A_111 = arith.constant 0 : index
    %swap3A_112 = vector.load %arg5[%swap3A_111] : memref<10000xf32, #tpu.memory_space<vmem>>, vector<10000xf32>
    tpu.vector_store %arg5[%swap3A_111], %mul3A {strides = array<i32>} : memref<10000xf32, #tpu.memory_space<vmem>>, vector<10000xf32>,
    %swap3A_113 = arith.constant 0 : index
    %swap3A_114 = vector.load %arg6[%swap3A_113] : memref<10000xf32, #tpu.memory_space<vmem>>, vector<10000xf32>
    tpu.vector_store %arg6[%swap3A_113], %squeeze3A_109 {strides = array<i32>} : memref<10000xf32, #tpu.memory_space<vmem>>, vector<10000xf32>,
    return
  }
}

</mosaic_0001>

<sc_bundles>
// kernel: kernel.5.cloned.1.call-start
scs
__scs_entry_jumppad:
0x0: {  	(pc) =	sbr.rel $0x88, $3  }
0x1: {  	(tag) =	ssettag $0x0;
	lr =	simm.s32 $0x1  }
0x2: {  	[smem:$0x3F9A] =	sst lr;
	_ =	strace $0xD0000000  }
0x3: {  	_ = 	snop  }
0x4: {  	_ = 	snop  }
0x5: {  	_ = 	snop  }
0x6: {  	_ = 	snop  }
0x7: {  	_ = 	snop  }
__scs_overlays_trampoline_lowered:
0x8: {  	[smem:$0x3FA9] =	sst s0  }
0x9: {  	[smem:$0x3FAA] =	sst s1  }
0xa: {  	[smem:$0x3FAB] =	sst s2  }
0xb: {  	[smem:$0x3FAC] =	sst s3  }
0xc: {  	[smem:$0x3FAD] =	sst s4  }
0xd: {  	[smem:$0x3FAE] =	sst s5  }
0xe: {  	[smem:$0x3FAF] =	sst s6  }
0xf: {  	[smem:$0x3FB0] =	sst s7  }
0x10: {  	[smem:$0x3FB1] =	sst s8  }
0x11: {  	[smem:$0x3FB2] =	sst s9;
	s0 =	simm.s32 @!p0 $0x0  }
0x12: {  	s1 =	sld [smem:$0x3F98];
	s0 =	simm.s32 @p0 $0x1  }
0x13: {  	[smem:$0x3FB3] =	sst s0;
	s0 =	simm.s32 @!p1 $0x0  }
0x14: {  	s2 =	sld [smem:$0x3F97];
	s0 =	simm.s32 @p1 $0x1  }
0x15: {  	[smem:$0x3FB4] =	sst s0;
	s0 =	simm.s32 @!p2 $0x0  }
0x16: {  	s3 =	sld [smem:$0x3FDB];
	s0 =	simm.s32 @p2 $0x1  }
0x17: {  	s4 =	simm.s32 $0x1BF5;
	[smem:$0x3FB6] =	sst s0  }
0x18: {  	s0 =	sld [smem:$0x3F99];
	_ =	swait.ge [sflag:s4], $0x0  }
0x19: {  	s7 =	sld [smem:$0x3F9A]  }
0x1a: {  	s8 =	sadd.s32 $0xFFFFE003, lr  }
0x1b: {  	s9 =	sadd.s32 $0xFFFFFEF7, lr;
	s5 =	simm.s32 $0xFFFFFFFF;
	p2 =	slt.u32 s8, $0xFFFFF086  }
0x1c: {  	p1 =	slt.u32 s9, $0xF7A;
	s5 =	simm.s32 @!p2 $0x0  }
0x1d: {  	s5 =	simm.s32 @p1 $0x1;
	p0 =	seq.s32 s7, s2  }
0x1e: {  	s7 =	smul.u32 @!p0 $0xF7A, s2;
	p2 =	seq.s32 @!p0 s5, $0x0  }
0x1f: {  	s9 =	smul.u32 $0xF7A, s1;
	s8 =	simm.s32 @!p0 $0x1BF5;
	p2 =	por !p2, p0  }
0x20: {  	[sflag:s8] =	ssyncset.s32 @!p0 $0xFFFFF086;
	s6 =	sadd.s32 @!p0 s3, s7;
	s7 =	simm.s32 @!p0 $0x108  }
0x21: {  	s3 =	sadd.s32 s3, s9;
	s6 =	sadd.s32 @!p0 $0x88, s6;
	s7 =	simm.s32 @p2 $0x1082  }
0x22: {  	[simem:s7], [sflag:s8] =	dma.local @!p0 [hbm:s6], $0xF7A  }
0x23: {  	s9 =	sor.u32 $0xD0000000, s2;
	s6 =	simm.s32 $0x108;
	_ =	swait.ge @!p0 [sflag:s8], $0x0  }
0x24: {  	s3 =	sadd.s32 $0x88, s3;
	s6 =	simm.s32 @!p1 $0x1082;
	[sflag:s4] =	ssyncset.s32 $0xFFFFF086  }
0x25: {  	[simem:s6], [sflag:s4] =	dma.local [hbm:s3], $0xF7A  }
0x26: {  	[smem:$0x3F9A] =	sst s1;
	(tag) =	ssettag s2;
	_ =	strace s9  }
0x27: {  	s1 =	sld [smem:$0x3FAA]  }
0x28: {  	s2 =	sld [smem:$0x3FAB]  }
0x29: {  	s4 =	sld [smem:$0x3FAD]  }
0x2a: {  	p0 =	seq.s32 s5, $0x0;
	s5 =	sld [smem:$0x3FAE]  }
0x2b: {  	s6 =	sld [smem:$0x3FAF]  }
0x2c: {  	s7 =	sld [smem:$0x3FB0]  }
0x2d: {  	s3 =	simm.s32 $0x108;
	s8 =	sld [smem:$0x3FB1]  }
0x2e: {  	s3 =	simm.s32 @!p0 $0x1082;
	s9 =	sld [smem:$0x3FB2]  }
0x2f: {  	lr =	sadd.s32 s0, s3;
	s0 =	sld [smem:$0x3FA9]  }
0x30: {  	s3 =	sld [smem:$0x3FAC]  }
0x31: {  	[smem:$0x3FB5] =	sst s10  }
0x32: {  	s10 =	sld [smem:$0x3FB3];
	_ =	sdelay $0x3  }
0x33: {  	p0 =	seq.s32 s10, $0x1;
	s10 =	sld [smem:$0x3FB5];
	_ =	sdelay $0x3  }
0x34: {  	[smem:$0x3FB5] =	sst s10  }
0x35: {  	s10 =	sld [smem:$0x3FB4];
	_ =	sdelay $0x3  }
0x36: {  	p1 =	seq.s32 s10, $0x1;
	s10 =	sld [smem:$0x3FB5];
	_ =	sdelay $0x3  }
0x37: {  	[smem:$0x3FB5] =	sst s10  }
0x38: {  	s10 =	sld [smem:$0x3FB6]  }
0x39: {  	_ = 	snop;
	(pc) =	sbr.ind lr, $3  }
0x3a: {  	_ = 	snop  }
0x3b: {  	_ = 	snop  }
0x3c: {  	p2 =	seq.s32 s10, $0x1;
	s10 =	sld [smem:$0x3FB5]  }
0x3d: {  	_ =	shalt  }
0x3e: {  	_ =	shalt  }
0x3f: {  	_ =	shalt  }
0x40: {  	_ =	shalt  }
0x41: {  	_ =	shalt  }
0x42: {  	_ =	shalt  }
0x43: {  	_ =	shalt  }
0x44: {  	_ =	shalt  }
0x45: {  	_ =	shalt  }
0x46: {  	_ =	shalt  }
0x47: {  	_ =	shalt  }
0x48: {  	_ =	shalt  }
0x49: {  	_ =	shalt  }
0x4a: {  	_ =	shalt  }
0x4b: {  	_ =	shalt  }
0x4c: {  	_ =	shalt  }
0x4d: {  	_ =	shalt  }
0x4e: {  	_ =	shalt  }
0x4f: {  	_ =	shalt  }
0x50: {  	_ =	shalt  }
0x51: {  	_ =	shalt  }
0x52: {  	_ =	shalt  }
0x53: {  	_ =	shalt  }
0x54: {  	_ =	shalt  }
0x55: {  	_ =	shalt  }
0x56: {  	_ =	shalt  }
0x57: {  	_ =	shalt  }
0x58: {  	_ =	shalt  }
0x59: {  	_ =	shalt  }
0x5a: {  	_ =	shalt  }
0x5b: {  	_ =	shalt  }
0x5c: {  	_ =	shalt  }
0x5d: {  	_ =	shalt  }
0x5e: {  	_ =	shalt  }
0x5f: {  	_ =	shalt  }
0x60: {  	_ =	shalt  }
0x61: {  	_ =	shalt  }
0x62: {  	_ =	shalt  }
0x63: {  	_ =	shalt  }
0x64: {  	_ =	shalt  }
0x65: {  	_ =	shalt  }
0x66: {  	_ =	shalt  }
0x67: {  	_ =	shalt  }
0x68: {  	_ =	shalt  }
0x69: {  	_ =	shalt  }
0x6a: {  	_ =	shalt  }
0x6b: {  	_ =	shalt  }
0x6c: {  	_ =	shalt  }
0x6d: {  	_ =	shalt  }
0x6e: {  	_ =	shalt  }
0x6f: {  	_ =	shalt  }
0x70: {  	_ =	shalt  }
0x71: {  	_ =	shalt  }
0x72: {  	_ =	shalt  }
0x73: {  	_ =	shalt  }
0x74: {  	_ =	shalt  }
0x75: {  	_ =	shalt  }
0x76: {  	_ =	shalt  }
0x77: {  	_ =	shalt  }
0x78: {  	_ =	shalt  }
0x79: {  	_ =	shalt  }
0x7a: {  	_ =	shalt  }
0x7b: {  	_ =	shalt  }
0x7c: {  	_ =	shalt  }
0x7d: {  	_ =	shalt  }
0x7e: {  	_ =	shalt  }
0x7f: {  	_ =	shalt  }
0x80: {  	_ =	shalt  }
0x81: {  	_ =	shalt  }
0x82: {  	_ =	shalt  }
0x83: {  	_ =	shalt  }
0x84: {  	_ =	shalt  }
0x85: {  	_ =	shalt  }
0x86: {  	_ =	shalt  }
0x87: {  	_ =	shalt  }
.Lfunc_end0:
.L_simem_size_0:
called_computation_lowered:
.L_overlay_start_0:
0x88: {  	s2 =	sld [smem:$0x3FD9]  }
0x89: {  	s3 =	sld [smem:$0x3FFE];
	_ =	sdelay $0x1  }
0x8a: {  	s1 =	srdreg.scid  }
0x8b: {  	s0 =	sand.u32 $0x1, s1  }
0x8c: {  	s14 =	sshll.u32 s0, $0xA;
	s2 =	sadd.s32 s3, s2  }
0x8d: {  	s2 =	sadd.s32 s2, s14  }
0x8e: {  	[smem:$0x3FC1] =	sst s2  }
0x8f: {  	_ = 	snop  }
0x90: {  	s2 =	sld [smem:$0x3FD0];
	_ =	sdelay $0x2  }
0x91: {  	s15 =	simm.s32 $0xA;
	s4 =	simm.s32 $0x10  }
0x92: {  	[smem:s4], [sflag:s15] =	dma.local [hbm:s2], $0x1  }
0x93: {  	_ =	swait.eq [sflag:s15], $0x1  }
0x94: {  	[sflag:s15] =	ssyncset.done $0x0  }
0x95: {  	[sflag:s15] =	ssyncadd.s32 $0xFFFFFFFF  }
0x96: {  	s16 =	sld [smem:$0x10];
	(tm) =	ssettm $0x1  }
0x97: {  	s17 =	sld [smem:$0x3FFB];
	_ =	sdelay $0x3  }
0x98: {  	_ =	strace s17  }
0x99: {  	s3 =	sld [smem:$0x3FFC];
	_ =	sdelay $0x3  }
0x9a: {  	_ =	strace s3  }
0x9b: {  	s3 =	sld [smem:$0x3FFD];
	_ =	sdelay $0x3  }
0x9c: {  	_ =	strace s3  }
0x9d: {  	_ =	strace $0x8FFFFFFF  }
0x9e: {  	s18 =	sld [smem:$0x3FDB];
	_ =	sdelay $0x1  }
0x9f: {  	s19 =	simm.s32 $_scs_section_size  }
0xa0: {  	s5 =	simm.s32 $_size__tile_overlayer_lowered;
	s6 =	simm.s32 $_tile_overlayer_lowered  }
0xa1: {  	s22 =	simm.s32 $0x1BFF;
	s21 =	sshll.u32 s6, $0x1;
	s3 =	sadd.s32 s19, s18  }
0xa2: {  	s7 =	simm.s32 $0x0;
	s20 =	sshll.u32 s5, $0x1;
	s5 =	sadd.s32 s21, s3  }
0xa3: {  	[timem:s7], [sflag:s22] =	dma.local [hbm:s5], s20  }
0xa4: {  	_ =	swait.ge [sflag:s22], s20  }
0xa5: {  	s4 =	ssub.s32 $0x0, s20;
	[sflag:s22] =	ssyncset.done $0x0  }
0xa6: {  	[sflag:s22] =	ssyncadd.s32 s4;
	_ =	sdelay $0x1  }
0xa7: {  	s23 =	simm.s32 $0x1B8B  }
0xa8: {  	_ =	swait.ge [sflag:s23], $0x1  }
0xa9: {  	[sflag:s23] =	ssyncset.done $0x0  }
0xaa: {  	s25 =	simm.s32 $0x1B8E;
	s24 =	sld [smem:$0x3FFE];
	[sflag:s23] =	ssyncadd.s32 $0xFFFFFFFF  }
0xab: {  	s26 =	simm.s32 $execute0_lowered;
	[smem:$0x3FD2] =	sst s25  }
0xac: {  	s5 =	sshll.u32 s26, $0x1;
	_ =	strace $0x80000046;
	[dreg:$0x1] =	wrdreg $0xFFFFFFFF  }
0xad: {  	s28 =	simm.s32 $_size_execute0_lowered;
	s3 =	sadd.s32 s3, s5;
	[dreg:$0x0] =	wrdreg $0x0  }
0xae: {  	s5 =	sshll.u32 s28, $0x1;
	[dreg:$0x2] =	wrdreg s3  }
0xaf: {  	[dreg:$0x3] =	wrdreg s5  }
0xb0: {  	[dreg:$0x4] =	wrdreg $0xC0  }
0xb1: {  	_ =	task [dreg:s7], $0x5FFFF  }
0xb2: {  	[dreg:$0x1] =	wrdreg $0xFFFFFFFF  }
0xb3: {  	[dreg:$0x0] =	wrdreg $0x60  }
0xb4: {  	[dreg:$0x2] =	wrdreg s24  }
0xb5: {  	[dreg:$0x3] =	wrdreg s16  }
0xb6: {  	[dreg:$0x4] =	wrdreg $0x9  }
0xb7: {  	_ =	task.clear_ibuf [dreg:s7], $0x5FFFF;
	_ =	strace $0x90000046  }
0xb8: {  	s29 =	simm.s32 $0x9;
	_ =	strace $0x80000048  }
0xb9: {  	_ =	swait.ge [sflag:s29], $0x1  }
0xba: {  	[sflag:s29] =	ssyncadd.s32 $0xFFFFFFFF  }
0xbb: {  	_ =	strace $0x90000048  }
0xbc: {  	_ =	sfence  }
0xbd: {  	s30 =	sld [smem:$0x0];
	_ =	sdelay $0x2  }
0xbe: {  	s31 =	sshll.u32 s1, $0xD;
	s1 =	sshrl.u32 s1, $0x2  }
0xbf: {  	s3 =	sand.u32 $0x4000, s31;
	s1 =	sadd.s32 s1, s30  }
0xc0: {  	s0 =	sor.u32 s3, s0;
	s1 =	sshll.u32 s1, $0x11  }
0xc1: {  	s0 =	sor.u32 s1, s0  }
0xc2: {  	s0 =	sadd.s32 $0x8F2B, s0  }
0xc3: {  	[sflag:s0] =	ssyncadd.remote.s32 $0x1  }
0xc4: {  	_ =	sfence.sel $0xFFFF  }
0xc5: {  	[dreg:$0x0] =	wrdreg $0xFFFFFFFF;
	(pc) =	sbr.abs _section_cstart, $3  }
0xc6: {  	[dreg:$0x1] =	wrdreg $0xFFFFFFFF  }
0xc7: {  	_ =	task.clear_ibuf [dreg:s7], $0x2FFFF;
	_ =	strace $0x9FFFFFFF  }
0xc8: {  	(tm) =	ssettm $0x7FFFFFFF  }
0xc9: {  	_ =	shalt  }
tec
execute0_lowered:
.L_overlay_start_1:
0x0: {  	(tag) =	ssettag $0x1  }
0x1: {  	s3 =	rddreg [dreg:$0x0]  }
0x2: {  	s1 =	srdreg.scid;
	s0 =	stileid.u32  }
0x3: {  	s4 =	rddreg [dreg:$0x1];
	s5 =	sand.u32 $0x1, s1;
	s2 =	sshll.u32 s0, $0x1  }
0x4: {  	s1 =	rddreg [dreg:$0x2];
	s6 =	sor.u32 s5, s2  }
0x5: {  	s2 =	simm.s32 $0x0;
	s5 =	ssub.s32 $0x2, s5;
	s7 =	smul.u32 $0x4E2, s6  }
0x6: {  	[smem:$0x7FF] =	sst s2;
	s8 =	sshrl.u32 s5, $0x1;
	s6 =	smul.u32 $0x4F0, s6  }
0x7: {  	_ =	strace $0x80000047;
	s5 =	ssub.s32 s5, s8;
	s8 =	simm.s32 $0x0  }
0x8: {  	s3 =	sadd.s32 s7, s3;
	s4 =	sadd.s32 s4, s6;
	s5 =	smax.u32 s5, $0x1  }
0x9: {  	v0 =	vimm.f32 $0.0e+00;
	v1 =	vimm.f32 $1.000000000e+00;
	s6 =	simm.s32 $0x1;
	s7 =	simm.s32 $0x2780;
	s3 =	sadd.s32 $0x1800, s3  }
.LBB2_1:
0xa: {  	[tilespmem:s2], [sflag:$0x1] =	stream.linear.gather [hbm4b:s3+s2], $0x2710, $0x38;
	[tilespmem:$0x4F00] =	vst v63  }
0xb: {  	_ =	swait.ge [sflag:s6], $0x2710  }
0xc: {  	[sflag:s6] =	ssyncset.done $0x0  }
0xd: {  	s9 =	simm.s32 $0x0;
	[sflag:s6] =	ssyncadd.s32 $0xFFFFD8F0  }
.LBB2_2:
0xe: {  	p0 =	sne.s32 s9, $0x9DC0  }
.Ltmp0:
0xf: {  	_ = 	snop;
	(pc) =	sbr.rel @p0 .LBB2_2-.Ltmp0, $3  }
0x10: {  	_ =	sdelay $0x1  }
0x11: {  	s10 =	sshra.s32 s9, $0x2  }
0x12: {  	s9 =	sadd.s32 $0x40, s9;
	[tilespmem:s10+$0x2780] =	vst v0  }
0x13: {  	s10 =	simm.s32 $0x0;
	s9 =	simm.s32 $0x40  }
.LBB2_4:
0x14: {  	p0 =	sne.s32 s9, $0x9C00;
	v2 =	vld [tilespmem:s10+$0x0];
	_ =	sdelay $0x3  }
.Ltmp1:
0x15: {  	(pc) =	sbr.rel @p0 .LBB2_4-.Ltmp1, $2  }
0x16: {  	_ =	sdelay $0x2  }
0x17: {  	s10 =	sshra.s32 s9, $0x2;
	s9 =	sadd.s32 $0x40, s9;
	[tilespmem:v2+s7+$0x0] =	vst.idx.add.f32.msk $0xffff, v1  }
0x18: {  	v2 =	vld [tilespmem:s10+$0x0];
	_ =	sdelay $0x5  }
0x19: {  	s8 =	sadd.s32 $0x1, s8  }
0x1a: {  	p0 =	sne.s32 s8, s5  }
.Ltmp2:
0x1b: {  	[tilespmem:v2+s7+$0x0] =	vst.idx.add.f32.msk $0xffff, v1;
	(pc) =	sbr.rel @p0 .LBB2_1-.Ltmp2, $4  }
0x1c: {  	[hbm4b:s4+s2] =	stream.linear.scatter [tilespmem:s7], [sflag:$0x1], $0x2780, $0x38;
	[tilespmem:$0x4F00] =	vst v63  }
0x1d: {  	_ =	swait.ge [sflag:s6], $0x2780  }
0x1e: {  	[sflag:s6] =	ssyncset.done $0x0  }
0x1f: {  	[sflag:s6] =	ssyncadd.s32 $0xFFFFD880  }
0x20: {  	_ =	sfence.sel $0x180000  }
0x21: {  	[bflag:$0x0] =	sbarrier.arrive $0xFFFF  }
0x22: {  	p0 =	sne.s32 s0, $0x0;
	_ =	strace $0x90000047  }
0x23: {  	s0 =	sadd.s32 @!p0 $0x100000, s1;
	[bflag:$0x2] =	sbarrier.arrive $0xFFFF  }
0x24: {  	[sflag:s0] =	ssyncadd.tile.s32 @!p0 $0x1;
	_ =	shalt  }
.Lfunc_end2:
_tile_overlayer_lowered:
.L_overlay_start_2:
0x25: {  	(tag) =	ssettag $0x2  }
0x26: {  	s0 =	rddreg [dreg:$0x0];
	s2 =	stileid.u32  }
0x27: {  	s1 =	rddreg [dreg:$0x1];
	p0 =	sne.s32 s2, $0x0  }
0x28: {  	s3 =	rddreg [dreg:$0x2];
	[bflag:$0x3] =	sbarrier.arrive $0xFFFF;
	s2 =	simm.s32 @!p0 $0x1C01  }
0x29: {  	[timem:s3], [sflag:s2] =	dma.local @!p0 [hbm:s0], s1  }
0x2a: {  	s0 =	simm.s32 @!p0 $0x1  }
0x2b: {  	_ =	swait.ge @!p0 [sflag:s0], s1  }
0x2c: {  	s1 =	ssub.s32 @!p0 $0x0, s1;
	[sflag:s0] =	ssyncset.done @!p0 $0x0  }
0x2d: {  	[sflag:s0] =	ssyncadd.s32 @!p0 s1  }
0x2e: {  	[bflag:$0x3] =	sbarrier.arrive $0xFFFF  }
0x2f: {  	_ =	shalt  }

// kernel: kernel.8.cloned.1.call-start
scs
__scs_entry_jumppad:
0x0: {  	(pc) =	sbr.rel $0x88, $3  }
0x1: {  	(tag) =	ssettag $0x0;
	lr =	simm.s32 $0x1  }
0x2: {  	[smem:$0x3F9A] =	sst lr;
	_ =	strace $0xD0000000  }
0x3: {  	_ = 	snop  }
0x4: {  	_ = 	snop  }
0x5: {  	_ = 	snop  }
0x6: {  	_ = 	snop  }
0x7: {  	_ = 	snop  }
__scs_overlays_trampoline_lowered:
0x8: {  	[smem:$0x3FA9] =	sst s0  }
0x9: {  	[smem:$0x3FAA] =	sst s1  }
0xa: {  	[smem:$0x3FAB] =	sst s2  }
0xb: {  	[smem:$0x3FAC] =	sst s3  }
0xc: {  	[smem:$0x3FAD] =	sst s4  }
0xd: {  	[smem:$0x3FAE] =	sst s5  }
0xe: {  	[smem:$0x3FAF] =	sst s6  }
0xf: {  	[smem:$0x3FB0] =	sst s7  }
0x10: {  	[smem:$0x3FB1] =	sst s8  }
0x11: {  	[smem:$0x3FB2] =	sst s9;
	s0 =	simm.s32 @!p0 $0x0  }
0x12: {  	s1 =	sld [smem:$0x3F98];
	s0 =	simm.s32 @p0 $0x1  }
0x13: {  	[smem:$0x3FB3] =	sst s0;
	s0 =	simm.s32 @!p1 $0x0  }
0x14: {  	s2 =	sld [smem:$0x3F97];
	s0 =	simm.s32 @p1 $0x1  }
0x15: {  	[smem:$0x3FB4] =	sst s0;
	s0 =	simm.s32 @!p2 $0x0  }
0x16: {  	s3 =	sld [smem:$0x3FDB];
	s0 =	simm.s32 @p2 $0x1  }
0x17: {  	s4 =	simm.s32 $0x1BF5;
	[smem:$0x3FB6] =	sst s0  }
0x18: {  	s0 =	sld [smem:$0x3F99];
	_ =	swait.ge [sflag:s4], $0x0  }
0x19: {  	s7 =	sld [smem:$0x3F9A]  }
0x1a: {  	s8 =	sadd.s32 $0xFFFFE003, lr  }
0x1b: {  	s9 =	sadd.s32 $0xFFFFFEF7, lr;
	s5 =	simm.s32 $0xFFFFFFFF;
	p2 =	slt.u32 s8, $0xFFFFF086  }
0x1c: {  	p1 =	slt.u32 s9, $0xF7A;
	s5 =	simm.s32 @!p2 $0x0  }
0x1d: {  	s5 =	simm.s32 @p1 $0x1;
	p0 =	seq.s32 s7, s2  }
0x1e: {  	s7 =	smul.u32 @!p0 $0xF7A, s2;
	p2 =	seq.s32 @!p0 s5, $0x0  }
0x1f: {  	s9 =	smul.u32 $0xF7A, s1;
	s8 =	simm.s32 @!p0 $0x1BF5;
	p2 =	por !p2, p0  }
0x20: {  	[sflag:s8] =	ssyncset.s32 @!p0 $0xFFFFF086;
	s6 =	sadd.s32 @!p0 s3, s7;
	s7 =	simm.s32 @!p0 $0x108  }
0x21: {  	s3 =	sadd.s32 s3, s9;
	s6 =	sadd.s32 @!p0 $0x88, s6;
	s7 =	simm.s32 @p2 $0x1082  }
0x22: {  	[simem:s7], [sflag:s8] =	dma.local @!p0 [hbm:s6], $0xF7A  }
0x23: {  	s9 =	sor.u32 $0xD0000000, s2;
	s6 =	simm.s32 $0x108;
	_ =	swait.ge @!p0 [sflag:s8], $0x0  }
0x24: {  	s3 =	sadd.s32 $0x88, s3;
	s6 =	simm.s32 @!p1 $0x1082;
	[sflag:s4] =	ssyncset.s32 $0xFFFFF086  }
0x25: {  	[simem:s6], [sflag:s4] =	dma.local [hbm:s3], $0xF7A  }
0x26: {  	[smem:$0x3F9A] =	sst s1;
	(tag) =	ssettag s2;
	_ =	strace s9  }
0x27: {  	s1 =	sld [smem:$0x3FAA]  }
0x28: {  	s2 =	sld [smem:$0x3FAB]  }
0x29: {  	s4 =	sld [smem:$0x3FAD]  }
0x2a: {  	p0 =	seq.s32 s5, $0x0;
	s5 =	sld [smem:$0x3FAE]  }
0x2b: {  	s6 =	sld [smem:$0x3FAF]  }
0x2c: {  	s7 =	sld [smem:$0x3FB0]  }
0x2d: {  	s3 =	simm.s32 $0x108;
	s8 =	sld [smem:$0x3FB1]  }
0x2e: {  	s3 =	simm.s32 @!p0 $0x1082;
	s9 =	sld [smem:$0x3FB2]  }
0x2f: {  	lr =	sadd.s32 s0, s3;
	s0 =	sld [smem:$0x3FA9]  }
0x30: {  	s3 =	sld [smem:$0x3FAC]  }
0x31: {  	[smem:$0x3FB5] =	sst s10  }
0x32: {  	s10 =	sld [smem:$0x3FB3];
	_ =	sdelay $0x3  }
0x33: {  	p0 =	seq.s32 s10, $0x1;
	s10 =	sld [smem:$0x3FB5];
	_ =	sdelay $0x3  }
0x34: {  	[smem:$0x3FB5] =	sst s10  }
0x35: {  	s10 =	sld [smem:$0x3FB4];
	_ =	sdelay $0x3  }
0x36: {  	p1 =	seq.s32 s10, $0x1;
	s10 =	sld [smem:$0x3FB5];
	_ =	sdelay $0x3  }
0x37: {  	[smem:$0x3FB5] =	sst s10  }
0x38: {  	s10 =	sld [smem:$0x3FB6]  }
0x39: {  	_ = 	snop;
	(pc) =	sbr.ind lr, $3  }
0x3a: {  	_ = 	snop  }
0x3b: {  	_ = 	snop  }
0x3c: {  	p2 =	seq.s32 s10, $0x1;
	s10 =	sld [smem:$0x3FB5]  }
0x3d: {  	_ =	shalt  }
0x3e: {  	_ =	shalt  }
0x3f: {  	_ =	shalt  }
0x40: {  	_ =	shalt  }
0x41: {  	_ =	shalt  }
0x42: {  	_ =	shalt  }
0x43: {  	_ =	shalt  }
0x44: {  	_ =	shalt  }
0x45: {  	_ =	shalt  }
0x46: {  	_ =	shalt  }
0x47: {  	_ =	shalt  }
0x48: {  	_ =	shalt  }
0x49: {  	_ =	shalt  }
0x4a: {  	_ =	shalt  }
0x4b: {  	_ =	shalt  }
0x4c: {  	_ =	shalt  }
0x4d: {  	_ =	shalt  }
0x4e: {  	_ =	shalt  }
0x4f: {  	_ =	shalt  }
0x50: {  	_ =	shalt  }
0x51: {  	_ =	shalt  }
0x52: {  	_ =	shalt  }
0x53: {  	_ =	shalt  }
0x54: {  	_ =	shalt  }
0x55: {  	_ =	shalt  }
0x56: {  	_ =	shalt  }
0x57: {  	_ =	shalt  }
0x58: {  	_ =	shalt  }
0x59: {  	_ =	shalt  }
0x5a: {  	_ =	shalt  }
0x5b: {  	_ =	shalt  }
0x5c: {  	_ =	shalt  }
0x5d: {  	_ =	shalt  }
0x5e: {  	_ =	shalt  }
0x5f: {  	_ =	shalt  }
0x60: {  	_ =	shalt  }
0x61: {  	_ =	shalt  }
0x62: {  	_ =	shalt  }
0x63: {  	_ =	shalt  }
0x64: {  	_ =	shalt  }
0x65: {  	_ =	shalt  }
0x66: {  	_ =	shalt  }
0x67: {  	_ =	shalt  }
0x68: {  	_ =	shalt  }
0x69: {  	_ =	shalt  }
0x6a: {  	_ =	shalt  }
0x6b: {  	_ =	shalt  }
0x6c: {  	_ =	shalt  }
0x6d: {  	_ =	shalt  }
0x6e: {  	_ =	shalt  }
0x6f: {  	_ =	shalt  }
0x70: {  	_ =	shalt  }
0x71: {  	_ =	shalt  }
0x72: {  	_ =	shalt  }
0x73: {  	_ =	shalt  }
0x74: {  	_ =	shalt  }
0x75: {  	_ =	shalt  }
0x76: {  	_ =	shalt  }
0x77: {  	_ =	shalt  }
0x78: {  	_ =	shalt  }
0x79: {  	_ =	shalt  }
0x7a: {  	_ =	shalt  }
0x7b: {  	_ =	shalt  }
0x7c: {  	_ =	shalt  }
0x7d: {  	_ =	shalt  }
0x7e: {  	_ =	shalt  }
0x7f: {  	_ =	shalt  }
0x80: {  	_ =	shalt  }
0x81: {  	_ =	shalt  }
0x82: {  	_ =	shalt  }
0x83: {  	_ =	shalt  }
0x84: {  	_ =	shalt  }
0x85: {  	_ =	shalt  }
0x86: {  	_ =	shalt  }
0x87: {  	_ =	shalt  }
.Lfunc_end0:
.L_simem_size_0:
called_computation.1_lowered:
.L_overlay_start_0:
0x88: {  	s2 =	sld [smem:$0x3FD9]  }
0x89: {  	s3 =	sld [smem:$0x3FFE];
	_ =	sdelay $0x1  }
0x8a: {  	s1 =	srdreg.scid  }
0x8b: {  	s0 =	sand.u32 $0x1, s1  }
0x8c: {  	s14 =	sshll.u32 s0, $0xA;
	s2 =	sadd.s32 s3, s2  }
0x8d: {  	s2 =	sadd.s32 s2, s14  }
0x8e: {  	[smem:$0x3FC1] =	sst s2  }
0x8f: {  	_ = 	snop  }
0x90: {  	s2 =	sld [smem:$0x3FD0];
	_ =	sdelay $0x2  }
0x91: {  	s4 =	simm.s32 $0xA;
	s5 =	simm.s32 $0x10;
	s15 =	sld [smem:$0x3FC7]  }
0x92: {  	[smem:s5], [sflag:s4] =	dma.local [hbm:s2], $0x1  }
0x93: {  	_ =	swait.eq [sflag:s4], $0x1  }
0x94: {  	[sflag:s4] =	ssyncset.done $0x0  }
0x95: {  	s16 =	sld [smem:$0x10];
	[sflag:s4] =	ssyncadd.s32 $0xFFFFFFFF  }
0x96: {  	s17 =	sld [smem:$0x11];
	(tm) =	ssettm $0x1  }
0x97: {  	s18 =	sld [smem:$0x3FFB];
	_ =	sdelay $0x3  }
0x98: {  	_ =	strace s18  }
0x99: {  	s5 =	sld [smem:$0x3FFC];
	_ =	sdelay $0x3  }
0x9a: {  	_ =	strace s5  }
0x9b: {  	s5 =	sld [smem:$0x3FFD];
	_ =	sdelay $0x3  }
0x9c: {  	_ =	strace s5  }
0x9d: {  	_ =	strace $0x8FFFFFFF  }
0x9e: {  	s19 =	sld [smem:$0x3FDB];
	_ =	sdelay $0x1  }
0x9f: {  	s6 =	simm.s32 $_scs_section_size  }
0xa0: {  	s7 =	simm.s32 $_size__tile_overlayer_lowered;
	s8 =	simm.s32 $_tile_overlayer_lowered  }
0xa1: {  	s22 =	simm.s32 $0x1BFF;
	s21 =	sshll.u32 s8, $0x1;
	s5 =	sadd.s32 s6, s19  }
0xa2: {  	s9 =	simm.s32 $0x0;
	s20 =	sshll.u32 s7, $0x1;
	s7 =	sadd.s32 s21, s5  }
0xa3: {  	[timem:s9], [sflag:s22] =	dma.local [hbm:s7], s20  }
0xa4: {  	_ =	swait.ge [sflag:s22], s20  }
0xa5: {  	s6 =	ssub.s32 $0x0, s20;
	[sflag:s22] =	ssyncset.done $0x0  }
0xa6: {  	[sflag:s22] =	ssyncadd.s32 s6;
	_ =	sdelay $0x1  }
0xa7: {  	s23 =	simm.s32 $0x1B8B  }
0xa8: {  	_ =	swait.ge [sflag:s23], $0x1  }
0xa9: {  	[sflag:s23] =	ssyncset.done $0x0  }
0xaa: {  	s25 =	simm.s32 $0x1B8E;
	s24 =	sld [smem:$0x3FFE];
	[sflag:s23] =	ssyncadd.s32 $0xFFFFFFFF  }
0xab: {  	s26 =	simm.s32 $execute0_lowered;
	[smem:$0x3FD2] =	sst s25  }
0xac: {  	s7 =	sshll.u32 s26, $0x1;
	_ =	strace $0x80000049;
	[dreg:$0x1] =	wrdreg $0xFFFFFFFF  }
0xad: {  	s28 =	simm.s32 $_size_execute0_lowered;
	s5 =	sadd.s32 s5, s7;
	[dreg:$0x0] =	wrdreg $0x0  }
0xae: {  	s7 =	sshll.u32 s28, $0x1;
	[dreg:$0x2] =	wrdreg s5  }
0xaf: {  	[dreg:$0x3] =	wrdreg s7  }
0xb0: {  	[dreg:$0x4] =	wrdreg $0xC0  }
0xb1: {  	_ =	task [dreg:s9], $0x5FFFF  }
0xb2: {  	[dreg:$0x1] =	wrdreg $0xFFFFFFFF  }
0xb3: {  	[dreg:$0x0] =	wrdreg $0x60  }
0xb4: {  	[dreg:$0x2] =	wrdreg s24  }
0xb5: {  	[dreg:$0x3] =	wrdreg s15  }
0xb6: {  	[dreg:$0x4] =	wrdreg s16  }
0xb7: {  	[dreg:$0x5] =	wrdreg s17  }
0xb8: {  	[dreg:$0x6] =	wrdreg $0x9  }
0xb9: {  	_ =	task.clear_ibuf [dreg:s9], $0x7FFFF;
	_ =	strace $0x90000049  }
0xba: {  	s29 =	simm.s32 $0x9;
	_ =	strace $0x8000004B  }
0xbb: {  	_ =	swait.ge [sflag:s29], $0x1  }
0xbc: {  	[sflag:s29] =	ssyncadd.s32 $0xFFFFFFFF  }
0xbd: {  	_ =	strace $0x9000004B  }
0xbe: {  	_ =	sfence  }
0xbf: {  	s30 =	sld [smem:$0x0];
	_ =	sdelay $0x2  }
0xc0: {  	s31 =	sshll.u32 s1, $0xD;
	s1 =	sshrl.u32 s1, $0x2  }
0xc1: {  	s3 =	sand.u32 $0x4000, s31;
	s1 =	sadd.s32 s1, s30  }
0xc2: {  	s0 =	sor.u32 s3, s0;
	s1 =	sshll.u32 s1, $0x11  }
0xc3: {  	s0 =	sor.u32 s1, s0  }
0xc4: {  	s0 =	sadd.s32 $0x8F2B, s0  }
0xc5: {  	[sflag:s0] =	ssyncadd.remote.s32 $0x1  }
0xc6: {  	_ =	sfence.sel $0xFFFF  }
0xc7: {  	[dreg:$0x0] =	wrdreg $0xFFFFFFFF;
	(pc) =	sbr.abs _section_cstart, $3  }
0xc8: {  	[dreg:$0x1] =	wrdreg $0xFFFFFFFF  }
0xc9: {  	_ =	task.clear_ibuf [dreg:s9], $0x2FFFF;
	_ =	strace $0x9FFFFFFF  }
0xca: {  	(tm) =	ssettm $0x7FFFFFFF  }
0xcb: {  	_ =	shalt  }
tec
execute0_lowered:
.L_overlay_start_1:
0x0: {  	(tag) =	ssettag $0x1  }
0x1: {  	s5 =	rddreg [dreg:$0x0]  }
0x2: {  	s8 =	rddreg [dreg:$0x1]  }
0x3: {  	s2 =	rddreg [dreg:$0x2];
	s1 =	srdreg.scid  }
0x4: {  	s0 =	stileid.u32;
	s9 =	rddreg [dreg:$0x3]  }
0x5: {  	s3 =	simm.s32 $0x0;
	s12 =	simm.s32 $0x1;
	s13 =	simm.s32 $0xC580  }
0x6: {  	s14 =	simm.s32 $0xED00;
	s15 =	simm.s32 $0x2780;
	s16 =	simm.s32 $0x4F00  }
0x7: {  	s17 =	simm.s32 $0x7680;
	s4 =	sand.u32 $0x1, s1;
	s6 =	sshll.u32 s0, $0x1  }
0x8: {  	s18 =	simm.s32 $0x0;
	s1 =	rddreg [dreg:$0x4];
	s6 =	sor.u32 s4, s6  }
0x9: {  	[smem:$0x7FF] =	sst s3;
	s31 =	ssub.s32 $0x2, s4;
	s10 =	smul.u32 $0x4E2, s6  }
0xa: {  	_ =	strace $0x8000004A;
	s4 =	sadd.s32 $0x15400, s5;
	s11 =	sshrl.u32 s31, $0x1  }
0xb: {  	s11 =	ssub.s32 s31, s11;
	s7 =	sadd.s32 s10, s5;
	s5 =	sadd.s32 $0x15A00, s5  }
0xc: {  	s8 =	sadd.s32 s8, s10;
	s9 =	sadd.s32 s9, s10;
	s10 =	smax.u32 s11, $0x1  }
0xd: {  	s11 =	simm.s32 $0x9E00;
	s6 =	sadd.s32 $0xB600, s7;
	s7 =	sadd.s32 $0x1800, s7  }
.LBB2_1:
0xe: {  	[tilespmem:s11], [sflag:$0x1] =	stream.linear.gather [hbm4b:s2+s3], $0x2780, $0x38;
	[tilespmem:$0x11480] =	vst v63  }
0xf: {  	_ =	swait.ge [sflag:s12], $0x2780  }
0x10: {  	[sflag:s12] =	ssyncset.done $0x0  }
0x11: {  	[sflag:s12] =	ssyncadd.s32 $0xFFFFD880  }
0x12: {  	[tilespmem:s13], [sflag:$0x1] =	stream.linear.gather [hbm4b:s4+s3], $0x2780, $0x38;
	[tilespmem:$0x11480] =	vst v63  }
0x13: {  	_ =	swait.ge [sflag:s12], $0x2780  }
0x14: {  	[sflag:s12] =	ssyncset.done $0x0  }
0x15: {  	[sflag:s12] =	ssyncadd.s32 $0xFFFFD880  }
0x16: {  	[tilespmem:s14], [sflag:$0x1] =	stream.linear.gather [hbm4b:s5+s3], $0x2780, $0x38;
	[tilespmem:$0x11480] =	vst v63  }
0x17: {  	_ =	swait.ge [sflag:s12], $0x2780  }
0x18: {  	[sflag:s12] =	ssyncset.done $0x0  }
0x19: {  	[sflag:s12] =	ssyncadd.s32 $0xFFFFD880  }
0x1a: {  	[tilespmem:s3], [sflag:$0x1] =	stream.linear.gather [hbm4b:s6+s3], $0x2710, $0x38;
	[tilespmem:$0x11480] =	vst v63  }
0x1b: {  	_ =	swait.ge [sflag:s12], $0x2710  }
0x1c: {  	[sflag:s12] =	ssyncset.done $0x0  }
0x1d: {  	[sflag:s12] =	ssyncadd.s32 $0xFFFFD8F0  }
0x1e: {  	[tilespmem:s15], [sflag:$0x1] =	stream.linear.gather [hbm4b:s7+s3], $0x2710, $0x38;
	[tilespmem:$0x11480] =	vst v63  }
0x1f: {  	_ =	swait.ge [sflag:s12], $0x2710  }
0x20: {  	[sflag:s12] =	ssyncset.done $0x0  }
0x21: {  	[sflag:s12] =	ssyncadd.s32 $0xFFFFD8F0  }
0x22: {  	[tilespmem:s16], [sflag:$0x1] =	stream.linear.gather [hbm4b:s8+s3], $0x2710, $0x38;
	[tilespmem:$0x11480] =	vst v63  }
0x23: {  	_ =	swait.ge [sflag:s12], $0x2710  }
0x24: {  	[sflag:s12] =	ssyncset.done $0x0  }
0x25: {  	s19 =	simm.s32 $0x0;
	[sflag:s12] =	ssyncadd.s32 $0xFFFFD8F0  }
0x26: {  	v0 =	vld [tilespmem:s19+$0x2780]  }
0x27: {  	v2 =	vld [tilespmem:s19+$0x0];
	_ =	sdelay $0x6  }
0x28: {  	v1 =	vld.idx.msk [tilespmem:v0+s13+$0x0], $0xffff  }
0x29: {  	v3 =	vld.idx.msk [tilespmem:v2+s11+$0x0], $0xffff  }
0x2a: {  	v4 =	vld [tilespmem:s19+$0x4F00]  }
0x2b: {  	v2 =	vld.idx.msk [tilespmem:v2+s14+$0x0], $0xffff  }
0x2c: {  	s20 =	simm.s32 $0x10  }
0x2d: {  	s21 =	simm.s32 $0x80;
	v0 =	vld [tilespmem:s20+$0x2780]  }
.LBB2_2:
0x2e: {  	p0 =	sne.s32 s21, $0x9C00;
	v5 =	vld [tilespmem:s20+$0x0];
	v1 =	vmul.f32 v1, v3;
	_ =	sdelay $0x1  }
0x2f: {  	v1 =	vmul.f32 v4, v1;
	v2 =	vmul.f32 v4, v2;
	_ =	sdelay $0x1  }
0x30: {  	v1 =	vadd.f32 v2, v1;
	_ =	sdelay $0x1  }
0x31: {  	[tilespmem:s19+$0x7680] =	vst v1;
	s19 =	smov.u32 s20  }
0x32: {  	v1 =	vld.idx.msk [tilespmem:v0+s13+$0x0], $0xffff  }
0x33: {  	v3 =	vld.idx.msk [tilespmem:v5+s11+$0x0], $0xffff  }
.Ltmp0:
0x34: {  	(pc) =	sbr.rel @p0 .LBB2_2-.Ltmp0, $4  }
0x35: {  	v2 =	vld.idx.msk [tilespmem:v5+s14+$0x0], $0xffff  }
0x36: {  	v4 =	vld [tilespmem:s19+$0x4F00]  }
0x37: {  	s20 =	sshra.s32 s21, $0x2  }
0x38: {  	s21 =	sadd.s32 $0x40, s21;
	v0 =	vld [tilespmem:s20+$0x2780]  }
0x39: {  	_ = 	snop  }
0x3a: {  	v5 =	vld [tilespmem:s20+$0x0];
	v1 =	vmul.f32 v1, v3;
	_ =	sdelay $0x1  }
0x3b: {  	v1 =	vmul.f32 v4, v1;
	v2 =	vmul.f32 v4, v2;
	_ =	sdelay $0x1  }
0x3c: {  	v1 =	vadd.f32 v2, v1;
	_ =	sdelay $0x1  }
0x3d: {  	[tilespmem:s19+$0x7680] =	vst v1  }
0x3e: {  	v0 =	vld.idx.msk [tilespmem:v0+s13+$0x0], $0xffff  }
0x3f: {  	v1 =	vld.idx.msk [tilespmem:v5+s11+$0x0], $0xffff  }
0x40: {  	v62 =	vld [tilespmem:s20+$0x4F00]  }
0x41: {  	v61 =	vld.idx.msk [tilespmem:v5+s14+$0x0], $0xffff;
	_ =	sdelay $0x2  }
0x42: {  	v0 =	vmul.f32 v0, v1;
	_ =	sdelay $0x1  }
0x43: {  	v63 =	vmul.f32 v62, v61;
	v0 =	vmul.f32 v62, v0;
	_ =	sdelay $0x1  }
0x44: {  	s18 =	sadd.s32 $0x1, s18;
	v0 =	vadd.f32 v63, v0  }
0x45: {  	p0 =	sne.s32 s18, s10  }
.Ltmp1:
0x46: {  	[tilespmem:s20+$0x7680] =	vst v0;
	(pc) =	sbr.rel @p0 .LBB2_1-.Ltmp1, $4  }
0x47: {  	[hbm4b:s9+s3] =	stream.linear.scatter [tilespmem:s17], [sflag:$0x1], $0x2710, $0x38;
	[tilespmem:$0x11480] =	vst v63  }
0x48: {  	_ =	swait.ge [sflag:s12], $0x2710  }
0x49: {  	[sflag:s12] =	ssyncset.done $0x0  }
0x4a: {  	[sflag:s12] =	ssyncadd.s32 $0xFFFFD8F0  }
0x4b: {  	_ =	sfence.sel $0x180000  }
0x4c: {  	[bflag:$0x0] =	sbarrier.arrive $0xFFFF  }
0x4d: {  	p0 =	sne.s32 s0, $0x0;
	_ =	strace $0x9000004A  }
0x4e: {  	s0 =	sadd.s32 @!p0 $0x100000, s1;
	[bflag:$0x2] =	sbarrier.arrive $0xFFFF  }
0x4f: {  	[sflag:s0] =	ssyncadd.tile.s32 @!p0 $0x1;
	_ =	shalt  }
.Lfunc_end2:
_tile_overlayer_lowered:
.L_overlay_start_2:
0x50: {  	(tag) =	ssettag $0x2  }
0x51: {  	s0 =	rddreg [dreg:$0x0];
	s2 =	stileid.u32  }
0x52: {  	s1 =	rddreg [dreg:$0x1];
	p0 =	sne.s32 s2, $0x0  }
0x53: {  	s3 =	rddreg [dreg:$0x2];
	[bflag:$0x3] =	sbarrier.arrive $0xFFFF;
	s2 =	simm.s32 @!p0 $0x1C01  }
0x54: {  	[timem:s3], [sflag:s2] =	dma.local @!p0 [hbm:s0], s1  }
0x55: {  	s0 =	simm.s32 @!p0 $0x1  }
0x56: {  	_ =	swait.ge @!p0 [sflag:s0], s1  }
0x57: {  	s1 =	ssub.s32 @!p0 $0x0, s1;
	[sflag:s0] =	ssyncset.done @!p0 $0x0  }
0x58: {  	[sflag:s0] =	ssyncadd.s32 @!p0 s1  }
0x59: {  	[bflag:$0x3] =	sbarrier.arrive $0xFFFF  }
0x5a: {  	_ =	shalt  }

</sc_bundles>
